<compile_context>
chip_gen: v7x
topology: tpu7x:2x2x1
jax: 0.10.2.dev20260603
libtpu: 0.0.44.dev20260713+nightly
codegen_flags: <defaults>
</compile_context>

<pallas_src>
import functools

import jax
import jax.numpy as jnp
from jax import lax
from jax.experimental import pallas as pl
from jax.experimental.pallas import tpu as pltpu
from jax.experimental.pallas import tpu_sc as plsc

B, C, H, W = 16, 34, 128, 128
K = 32
HW = H * W
L = 16
NPT = K * C


def _body(out_hbm, ind_hbm, m_hbm, t_hbm, res_hbm,
          ind_v, idx_v, pred_v, m_v, t_v, part_v, all_v, out_v, part_hbm,
          sem, sem2):
    b = lax.axis_index("s")

    pltpu.sync_copy(ind_hbm.at[b], ind_v)
    mcp = pltpu.async_copy(m_hbm.at[b], m_v, sem2)
    tcp = pltpu.async_copy(t_hbm.at[b], t_v, sem2)

    base_b = b * (C * HW)
    ind0 = ind_v[pl.ds(0, L)]
    ind1 = ind_v[pl.ds(L, L)]

    def build(c, _):
        off = base_b + c * HW
        idx_v[pl.ds(c * L, L)] = ind0 + off
        idx_v[pl.ds((C + c) * L, L)] = ind1 + off
        return 0

    lax.fori_loop(0, C, build, 0)

    gcp = pltpu.async_copy(out_hbm.at[idx_v], pred_v, sem)
    mcp.wait()
    tcp.wait()
    gcp.wait()

    lane = jnp.arange(L, dtype=jnp.int32)
    cvec = jnp.zeros((L,), jnp.int32)

    def step(c, carry):
        acc, mac = carry
        p0 = pred_v[pl.ds(c * L, L)]
        m0 = plsc.load_gather(m_v, [lane, cvec + c])
        t0 = plsc.load_gather(t_v, [lane, cvec + c])
        acc = acc + jnp.abs(m0 * (p0 - t0))
        mac = mac + m0
        p1 = pred_v[pl.ds((C + c) * L, L)]
        m1 = plsc.load_gather(m_v, [lane + L, cvec + c])
        t1 = plsc.load_gather(t_v, [lane + L, cvec + c])
        acc = acc + jnp.abs(m1 * (p1 - t1))
        mac = mac + m1
        return acc, mac

    acc, mac = lax.fori_loop(
        0, C, step,
        (jnp.zeros((L,), jnp.float32), jnp.zeros((L,), jnp.float32)))
    part_v[pl.ds(0, L)] = acc
    part_v[pl.ds(L, L)] = mac

    pltpu.sync_copy(part_v, part_hbm.at[b])
    plsc.subcore_barrier()

    @pl.when(b == 0)
    def _():
        pltpu.sync_copy(part_hbm, all_v)

        def red(i, carry):
            a, m = carry
            return a + all_v[i, pl.ds(0, L)], m + all_v[i, pl.ds(L, L)]

        a, m = lax.fori_loop(
            0, B, red,
            (jnp.zeros((L,), jnp.float32), jnp.zeros((L,), jnp.float32)))
        num = jnp.full((L,), jnp.sum(a), jnp.float32)
        den = jnp.full((L,), jnp.sum(m), jnp.float32) + 0.0001
        out_v[...] = num / den
        pltpu.sync_copy(out_v.at[pl.ds(0, 1)], res_hbm)


@jax.jit
def kernel(output, mask, ind, target):
    out_flat = output.reshape(-1)
    ind32 = ind.astype(jnp.int32)

    mesh = plsc.VectorSubcoreMesh(
        core_axis_name="c", subcore_axis_name="s", num_cores=1)
    run = functools.partial(
        pl.kernel,
        out_type=jax.ShapeDtypeStruct((1,), jnp.float32),
        mesh=mesh,
        scratch_types=[
            pltpu.VMEM((K,), jnp.int32),
            pltpu.VMEM((NPT,), jnp.int32),
            pltpu.VMEM((NPT,), jnp.float32),
            pltpu.VMEM((K, C), jnp.float32),
            pltpu.VMEM((K, C), jnp.float32),
            pltpu.VMEM((2 * L,), jnp.float32),
            pltpu.VMEM((B, 2 * L), jnp.float32),
            pltpu.VMEM((L,), jnp.float32),
            pltpu.HBM((B, 2 * L), jnp.float32),
            pltpu.SemaphoreType.DMA,
            pltpu.SemaphoreType.DMA,
        ],
        compiler_params=pltpu.CompilerParams(needs_layout_passes=False),
    )(_body)
    res = run(out_flat, ind32, mask, target)
    return res.reshape(())

# --- scband reference (transcript-rebuilt; emitter-appended) ---
"""Pipeline reference for scband-reg-weighted-l1-loss-1580547973376 (READ-ONLY COPY).

The authoritative reference and input builder live on the scoring server;
editing this copy changes nothing except your own understanding.
"""

import jax, jax.numpy as jnp
import numpy as np

B, C, H, W = 16, 34, 128, 128
K = 32

def setup_inputs(seed: int = 0) -> dict:
    key = jax.random.key(seed)
    k1, k2, k3, k4 = jax.random.split(key, 4)
    output = jax.random.normal(k1, (B, C, H, W), dtype=jnp.float32)
    mask = jax.random.uniform(k2, (B, K, C), dtype=jnp.float32)
    ind = jax.random.randint(k3, (B, K), 0, H * W, dtype=jnp.int64)
    target = jax.random.normal(k4, (B, K, C), dtype=jnp.float32)
    return {"output": output, "mask": mask, "ind": ind, "target": target}

def _gather_feat(feat, ind):
    # feat: [B, N, dim], ind: [B, K] -> [B, K, dim]
    dim = feat.shape[2]
    idx = jnp.broadcast_to(ind[:, :, None], (ind.shape[0], ind.shape[1], dim))
    return jnp.take_along_axis(feat, idx, axis=1)

def _transpose_and_gather_feat(feat, ind):
    # feat: [B, C, H, W] -> [B, H*W, C], then gather along dim 1
    b, c, h, w = feat.shape
    feat = jnp.transpose(feat, (0, 2, 3, 1)).reshape(b, h * w, c)
    return _gather_feat(feat, ind)

def reference(output, mask, ind, target):
    pred = _transpose_and_gather_feat(output, ind)  # [B, K, C]
    maskf = mask.astype(jnp.float32)
    loss = jnp.sum(jnp.abs(pred * maskf - target * maskf))  # l1_loss, reduction='sum'
    loss = loss / (jnp.sum(maskf) + 0.0001)
    return loss

if __name__ == "__main__":
    import jax
    _d = setup_inputs()
    print(jax.jit(kernel)(*tuple(_d.values())))

</pallas_src>

<mosaic_0001>
#map = affine_map<(d0, d1) -> (0)>
#map1 = affine_map<(d0, d1) -> (0, 0)>
#map2 = affine_map<(d0, d1) -> (0, 0, 0)>
module attributes {stable_mosaic.version = 14 : i64} {
  func.func @_body(%arg0: i32, %arg1: i32, %arg2: memref<8912896xf32, #tpu.memory_space<hbm>>, %arg3: memref<16x32xi32, #tpu.memory_space<hbm>>, %arg4: memref<16x32x34xf32, #tpu.memory_space<hbm>>, %arg5: memref<16x32x34xf32, #tpu.memory_space<hbm>>, %arg6: memref<1xf32, #tpu.memory_space<hbm>>, %arg7: memref<32xi32, #tpu.memory_space<vmem>>, %arg8: memref<1088xi32, #tpu.memory_space<vmem>>, %arg9: memref<1088xf32, #tpu.memory_space<vmem>>, %arg10: memref<32x34xf32, #tpu.memory_space<vmem>>, %arg11: memref<32x34xf32, #tpu.memory_space<vmem>>, %arg12: memref<32xf32, #tpu.memory_space<vmem>>, %arg13: memref<16x32xf32, #tpu.memory_space<vmem>>, %arg14: memref<16xf32, #tpu.memory_space<vmem>>, %arg15: memref<16x32xf32, #tpu.memory_space<hbm>>, %arg16: memref<!tpu.dma_semaphore, #tpu.memory_space<semaphore_mem>>, %arg17: memref<!tpu.dma_semaphore, #tpu.memory_space<semaphore_mem>>) attributes {dimension_semantics = [#tpu.dimension_semantics<core_parallel>, #tpu.dimension_semantics<subcore_parallel>], iteration_bounds = array<i64: 1, 16>, scalar_prefetch = 0 : i64, scratch_operands = 11 : i64, tpu.core_type = #tpu.core_type<sc_vector_subcore>, window_params = [{transform_indices = #map}, {transform_indices = #map1}, {transform_indices = #map2}, {transform_indices = #map2}, {transform_indices = #map}]} {
    "tpu.region"() ({
      %run_scoped3A = tpu.sem_alloc : memref<!tpu.dma_semaphore, #tpu.memory_space<semaphore_mem>>
      %dma_start3A_60 = arith.constant 0 : i32
      %dma_start3A_61 = tpu.memref_slice %arg3[%arg1, %dma_start3A_60] : memref<16x32xi32, #tpu.memory_space<hbm>> -> memref<1x32xi32, #tpu.memory_space<hbm>>
      %dma_start3A_62 = tpu.memref_squeeze %dma_start3A_61 : memref<1x32xi32, #tpu.memory_space<hbm>> -> memref<32xi32, #tpu.memory_space<hbm>>
      %dma_start3A_63 = arith.constant 0 : i32
      %dma_start3A_64 = tpu.memref_slice %arg3[%arg1, %dma_start3A_63] : memref<16x32xi32, #tpu.memory_space<hbm>> -> memref<1x32xi32, #tpu.memory_space<hbm>>
      %dma_start3A_65 = tpu.memref_squeeze %dma_start3A_64 : memref<1x32xi32, #tpu.memory_space<hbm>> -> memref<32xi32, #tpu.memory_space<hbm>>
      tpu.enqueue_dma source(%dma_start3A_65 : memref<32xi32, #tpu.memory_space<hbm>>) target(%arg7 : memref<32xi32, #tpu.memory_space<vmem>>) target_semaphore(%run_scoped3A : memref<!tpu.dma_semaphore, #tpu.memory_space<semaphore_mem>>)
      %dma_wait3A_66 = arith.constant 0 : i32
      %dma_wait3A_67 = tpu.memref_slice %arg3[%arg1, %dma_wait3A_66] : memref<16x32xi32, #tpu.memory_space<hbm>> -> memref<1x32xi32, #tpu.memory_space<hbm>>
      %dma_wait3A_68 = tpu.memref_squeeze %dma_wait3A_67 : memref<1x32xi32, #tpu.memory_space<hbm>> -> memref<32xi32, #tpu.memory_space<hbm>>
      %dma_wait3A_69 = arith.constant 0 : i32
      %dma_wait3A_70 = tpu.memref_slice %arg3[%arg1, %dma_wait3A_69] : memref<16x32xi32, #tpu.memory_space<hbm>> -> memref<1x32xi32, #tpu.memory_space<hbm>>
      %dma_wait3A_71 = tpu.memref_squeeze %dma_wait3A_70 : memref<1x32xi32, #tpu.memory_space<hbm>> -> memref<32xi32, #tpu.memory_space<hbm>>
      tpu.wait_dma2 semaphore(%run_scoped3A : memref<!tpu.dma_semaphore, #tpu.memory_space<semaphore_mem>>) src(%dma_wait3A_71 : memref<32xi32, #tpu.memory_space<hbm>>) dst(%arg7 : memref<32xi32, #tpu.memory_space<vmem>>)
      tpu.yield
    }) : () -> ()
    %dma_start3A = arith.constant 0 : i32
    %dma_start3A_0 = arith.constant 0 : i32
    %dma_start3A_1 = tpu.memref_slice %arg4[%arg1, %dma_start3A, %dma_start3A_0] : memref<16x32x34xf32, #tpu.memory_space<hbm>> -> memref<1x32x34xf32, #tpu.memory_space<hbm>>
    %dma_start3A_2 = tpu.memref_squeeze %dma_start3A_1 : memref<1x32x34xf32, #tpu.memory_space<hbm>> -> memref<32x34xf32, #tpu.memory_space<hbm>>
    %dma_start3A_3 = arith.constant 0 : i32
    %dma_start3A_4 = arith.constant 0 : i32
    %dma_start3A_5 = tpu.memref_slice %arg4[%arg1, %dma_start3A_3, %dma_start3A_4] : memref<16x32x34xf32, #tpu.memory_space<hbm>> -> memref<1x32x34xf32, #tpu.memory_space<hbm>>
    %dma_start3A_6 = tpu.memref_squeeze %dma_start3A_5 : memref<1x32x34xf32, #tpu.memory_space<hbm>> -> memref<32x34xf32, #tpu.memory_space<hbm>>
    tpu.enqueue_dma source(%dma_start3A_6 : memref<32x34xf32, #tpu.memory_space<hbm>>) target(%arg10 : memref<32x34xf32, #tpu.memory_space<vmem>>) target_semaphore(%arg17 : memref<!tpu.dma_semaphore, #tpu.memory_space<semaphore_mem>>)
    %dma_start3A_7 = arith.constant 0 : i32
    %dma_start3A_8 = arith.constant 0 : i32
    %dma_start3A_9 = tpu.memref_slice %arg5[%arg1, %dma_start3A_7, %dma_start3A_8] : memref<16x32x34xf32, #tpu.memory_space<hbm>> -> memref<1x32x34xf32, #tpu.memory_space<hbm>>
    %dma_start3A_10 = tpu.memref_squeeze %dma_start3A_9 : memref<1x32x34xf32, #tpu.memory_space<hbm>> -> memref<32x34xf32, #tpu.memory_space<hbm>>
    %dma_start3A_11 = arith.constant 0 : i32
    %dma_start3A_12 = arith.constant 0 : i32
    %dma_start3A_13 = tpu.memref_slice %arg5[%arg1, %dma_start3A_11, %dma_start3A_12] : memref<16x32x34xf32, #tpu.memory_space<hbm>> -> memref<1x32x34xf32, #tpu.memory_space<hbm>>
    %dma_start3A_14 = tpu.memref_squeeze %dma_start3A_13 : memref<1x32x34xf32, #tpu.memory_space<hbm>> -> memref<32x34xf32, #tpu.memory_space<hbm>>
    tpu.enqueue_dma source(%dma_start3A_14 : memref<32x34xf32, #tpu.memory_space<hbm>>) target(%arg11 : memref<32x34xf32, #tpu.memory_space<vmem>>) target_semaphore(%arg17 : memref<!tpu.dma_semaphore, #tpu.memory_space<semaphore_mem>>)
    %mul3A = arith.constant 557056 : i32
    %mul3A_15 = arith.muli %arg1, %mul3A : i32
    %get3A = arith.constant 0 : index
    %get3A_16 = tpu.vector_load %arg7[%get3A] {strides = array<i32>} : memref<32xi32, #tpu.memory_space<vmem>>, vector<16xi32>,
    %get3A_17 = arith.constant 16 : index
    %get3A_18 = tpu.vector_load %arg7[%get3A_17] {strides = array<i32>} : memref<32xi32, #tpu.memory_space<vmem>>, vector<16xi32>,
    %scan3A = arith.constant 0 : i32
    %scan3A_19 = arith.constant 0 : i32
    %scan3A_20 = arith.constant 34 : i32
    %scan3A_21 = arith.addi %scan3A_19, %scan3A_20 : i32
    %scan3A_22 = arith.constant 1 : i32
    %scan3A_23 = scf.for %scan3A_60 = %scan3A_19 to %scan3A_21 step %scan3A_22 iter_args(%scan3A_61 = %scan3A) -> (i32)  : i32 {
      %mul3A_62 = arith.constant 16384 : i32
      %mul3A_63 = arith.muli %scan3A_60, %mul3A_62 : i32
      %add3A = arith.addi %mul3A_15, %mul3A_63 : i32
      %add3A_64 = vector.broadcast %add3A : i32 to vector<16xi32>
      %add3A_65 = arith.addi %get3A_16, %add3A_64 : vector<16xi32>
      %mul3A_66 = arith.constant 16 : i32
      %mul3A_67 = arith.muli %scan3A_60, %mul3A_66 : i32
      %swap3A_68 = arith.index_cast %mul3A_67 : i32 to index
      %swap3A_69 = tpu.vector_load %arg8[%swap3A_68] {strides = array<i32>} : memref<1088xi32, #tpu.memory_space<vmem>>, vector<16xi32>,
      tpu.vector_store %arg8[%swap3A_68], %add3A_65 {strides = array<i32>} : memref<1088xi32, #tpu.memory_space<vmem>>, vector<16xi32>,
      %add3A_70 = vector.broadcast %add3A : i32 to vector<16xi32>
      %add3A_71 = arith.addi %get3A_18, %add3A_70 : vector<16xi32>
      %add3A_72 = arith.constant 34 : i32
      %add3A_73 = arith.addi %add3A_72, %scan3A_60 : i32
      %mul3A_74 = arith.constant 16 : i32
      %mul3A_75 = arith.muli %add3A_73, %mul3A_74 : i32
      %swap3A_76 = arith.index_cast %mul3A_75 : i32 to index
      %swap3A_77 = tpu.vector_load %arg8[%swap3A_76] {strides = array<i32>} : memref<1088xi32, #tpu.memory_space<vmem>>, vector<16xi32>,
      tpu.vector_store %arg8[%swap3A_76], %add3A_71 {strides = array<i32>} : memref<1088xi32, #tpu.memory_space<vmem>>, vector<16xi32>,
      %scan3A_78 = arith.constant 0 : i32
      scf.yield %scan3A_78 : i32
    }
    %scan3A_24 = arith.constant 34 : i32
    %dma_start3A_25 = arith.constant 0 : i32
    %dma_start3A_26 = tpu.memref_slice %arg2[%dma_start3A_25] : memref<8912896xf32, #tpu.memory_space<hbm>> -> memref<8912896xf32, #tpu.memory_space<hbm>>
    tpu.enqueue_indirect_dma source(%dma_start3A_26 : memref<8912896xf32, #tpu.memory_space<hbm>>) target(%arg9 : memref<1088xf32, #tpu.memory_space<vmem>>) offsets(%arg8 : memref<1088xi32, #tpu.memory_space<vmem>>) semaphore(%arg16 : memref<!tpu.dma_semaphore, #tpu.memory_space<semaphore_mem>>)
    %dma_wait3A = arith.constant 0 : i32
    %dma_wait3A_27 = arith.constant 0 : i32
    %dma_wait3A_28 = tpu.memref_slice %arg4[%arg1, %dma_wait3A, %dma_wait3A_27] : memref<16x32x34xf32, #tpu.memory_space<hbm>> -> memref<1x32x34xf32, #tpu.memory_space<hbm>>
    %dma_wait3A_29 = tpu.memref_squeeze %dma_wait3A_28 : memref<1x32x34xf32, #tpu.memory_space<hbm>> -> memref<32x34xf32, #tpu.memory_space<hbm>>
    %dma_wait3A_30 = arith.constant 0 : i32
    %dma_wait3A_31 = arith.constant 0 : i32
    %dma_wait3A_32 = tpu.memref_slice %arg4[%arg1, %dma_wait3A_30, %dma_wait3A_31] : memref<16x32x34xf32, #tpu.memory_space<hbm>> -> memref<1x32x34xf32, #tpu.memory_space<hbm>>
    %dma_wait3A_33 = tpu.memref_squeeze %dma_wait3A_32 : memref<1x32x34xf32, #tpu.memory_space<hbm>> -> memref<32x34xf32, #tpu.memory_space<hbm>>
    tpu.wait_dma2 semaphore(%arg17 : memref<!tpu.dma_semaphore, #tpu.memory_space<semaphore_mem>>) src(%dma_wait3A_33 : memref<32x34xf32, #tpu.memory_space<hbm>>) dst(%arg10 : memref<32x34xf32, #tpu.memory_space<vmem>>)
    %dma_wait3A_34 = arith.constant 0 : i32
    %dma_wait3A_35 = arith.constant 0 : i32
    %dma_wait3A_36 = tpu.memref_slice %arg5[%arg1, %dma_wait3A_34, %dma_wait3A_35] : memref<16x32x34xf32, #tpu.memory_space<hbm>> -> memref<1x32x34xf32, #tpu.memory_space<hbm>>
    %dma_wait3A_37 = tpu.memref_squeeze %dma_wait3A_36 : memref<1x32x34xf32, #tpu.memory_space<hbm>> -> memref<32x34xf32, #tpu.memory_space<hbm>>
    %dma_wait3A_38 = arith.constant 0 : i32
    %dma_wait3A_39 = arith.constant 0 : i32
    %dma_wait3A_40 = tpu.memref_slice %arg5[%arg1, %dma_wait3A_38, %dma_wait3A_39] : memref<16x32x34xf32, #tpu.memory_space<hbm>> -> memref<1x32x34xf32, #tpu.memory_space<hbm>>
    %dma_wait3A_41 = tpu.memref_squeeze %dma_wait3A_40 : memref<1x32x34xf32, #tpu.memory_space<hbm>> -> memref<32x34xf32, #tpu.memory_space<hbm>>
    tpu.wait_dma2 semaphore(%arg17 : memref<!tpu.dma_semaphore, #tpu.memory_space<semaphore_mem>>) src(%dma_wait3A_41 : memref<32x34xf32, #tpu.memory_space<hbm>>) dst(%arg11 : memref<32x34xf32, #tpu.memory_space<vmem>>)
    %dma_wait3A_42 = arith.constant 0 : i32
    %dma_wait3A_43 = tpu.memref_slice %arg2[%dma_wait3A_42] : memref<8912896xf32, #tpu.memory_space<hbm>> -> memref<8912896xf32, #tpu.memory_space<hbm>>
    tpu.wait_indirect_dma semaphore(%arg16 : memref<!tpu.dma_semaphore, #tpu.memory_space<semaphore_mem>>) src(%dma_wait3A_43 : memref<8912896xf32, #tpu.memory_space<hbm>>) dst(%arg9 : memref<1088xf32, #tpu.memory_space<vmem>>)
    %iota3A = tpu.iota {dimensions = array<i32: 0>} : vector<16xi32>
    %broadcast_in_dim3A = arith.constant 0 : i32
    %broadcast_in_dim3A_44 = vector.broadcast %broadcast_in_dim3A : i32 to vector<16xi32>
    %broadcast_in_dim3A_45 = arith.constant 0.000000e+00 : f32
    %broadcast_in_dim3A_46 = vector.broadcast %broadcast_in_dim3A_45 : f32 to vector<16xf32>
    %broadcast_in_dim3A_47 = arith.constant 0.000000e+00 : f32
    %broadcast_in_dim3A_48 = vector.broadcast %broadcast_in_dim3A_47 : f32 to vector<16xf32>
    %scan3A_49 = arith.constant 0 : i32
    %scan3A_50 = arith.constant 34 : i32
    %scan3A_51 = arith.addi %scan3A_49, %scan3A_50 : i32
    %scan3A_52 = arith.constant 1 : i32
    %scan3A_53:2 = scf.for %scan3A_60 = %scan3A_49 to %scan3A_51 step %scan3A_52 iter_args(%scan3A_61 = %broadcast_in_dim3A_46, %scan3A_62 = %broadcast_in_dim3A_48) -> (vector<16xf32>, vector<16xf32>)  : i32 {
      %mul3A_63 = arith.constant 16 : i32
      %mul3A_64 = arith.muli %scan3A_60, %mul3A_63 : i32
      %get3A_65 = arith.index_cast %mul3A_64 : i32 to index
      %get3A_66 = tpu.vector_load %arg9[%get3A_65] {strides = array<i32>} : memref<1088xf32, #tpu.memory_space<vmem>>, vector<16xf32>,
      %add3A = vector.broadcast %scan3A_60 : i32 to vector<16xi32>
      %add3A_67 = arith.addi %broadcast_in_dim3A_44, %add3A : vector<16xi32>
      %gather3A = tpu.vector_load_idx %arg10[%iota3A, %add3A_67] : memref<32x34xf32, #tpu.memory_space<vmem>>[vector<16xi32>, vector<16xi32>], vector<16xf32>,
      %add3A_68 = vector.broadcast %scan3A_60 : i32 to vector<16xi32>
      %add3A_69 = arith.addi %broadcast_in_dim3A_44, %add3A_68 : vector<16xi32>
      %gather3A_70 = tpu.vector_load_idx %arg11[%iota3A, %add3A_69] : memref<32x34xf32, #tpu.memory_space<vmem>>[vector<16xi32>, vector<16xi32>], vector<16xf32>,
      %sub3A = arith.subf %get3A_66, %gather3A_70 : vector<16xf32>
      %mul3A_71 = arith.mulf %gather3A, %sub3A : vector<16xf32>
      %abs3A = math.absf %mul3A_71 : vector<16xf32>
      %add3A_72 = arith.addf %scan3A_61, %abs3A : vector<16xf32>
      %add3A_73 = arith.addf %scan3A_62, %gather3A : vector<16xf32>
      %add3A_74 = arith.constant 34 : i32
      %add3A_75 = arith.addi %add3A_74, %scan3A_60 : i32
      %mul3A_76 = arith.constant 16 : i32
      %mul3A_77 = arith.muli %add3A_75, %mul3A_76 : i32
      %get3A_78 = arith.index_cast %mul3A_77 : i32 to index
      %get3A_79 = tpu.vector_load %arg9[%get3A_78] {strides = array<i32>} : memref<1088xf32, #tpu.memory_space<vmem>>, vector<16xf32>,
      %add3A_80 = arith.constant 16 : i32
      %add3A_81 = vector.broadcast %add3A_80 : i32 to vector<16xi32>
      %add3A_82 = arith.addi %iota3A, %add3A_81 : vector<16xi32>
      %add3A_83 = vector.broadcast %scan3A_60 : i32 to vector<16xi32>
      %add3A_84 = arith.addi %broadcast_in_dim3A_44, %add3A_83 : vector<16xi32>
      %gather3A_85 = tpu.vector_load_idx %arg10[%add3A_82, %add3A_84] : memref<32x34xf32, #tpu.memory_space<vmem>>[vector<16xi32>, vector<16xi32>], vector<16xf32>,
      %add3A_86 = arith.constant 16 : i32
      %add3A_87 = vector.broadcast %add3A_86 : i32 to vector<16xi32>
      %add3A_88 = arith.addi %iota3A, %add3A_87 : vector<16xi32>
      %add3A_89 = vector.broadcast %scan3A_60 : i32 to vector<16xi32>
      %add3A_90 = arith.addi %broadcast_in_dim3A_44, %add3A_89 : vector<16xi32>
      %gather3A_91 = tpu.vector_load_idx %arg11[%add3A_88, %add3A_90] : memref<32x34xf32, #tpu.memory_space<vmem>>[vector<16xi32>, vector<16xi32>], vector<16xf32>,
      %sub3A_92 = arith.subf %get3A_79, %gather3A_91 : vector<16xf32>
      %mul3A_93 = arith.mulf %gather3A_85, %sub3A_92 : vector<16xf32>
      %abs3A_94 = math.absf %mul3A_93 : vector<16xf32>
      %add3A_95 = arith.addf %add3A_72, %abs3A_94 : vector<16xf32>
      %add3A_96 = arith.addf %add3A_73, %gather3A_85 : vector<16xf32>
      scf.yield %add3A_95, %add3A_96 : vector<16xf32>, vector<16xf32>
    }
    %scan3A_54 = arith.constant 34 : i32
    %swap3A = arith.constant 0 : index
    %swap3A_55 = tpu.vector_load %arg12[%swap3A] {strides = array<i32>} : memref<32xf32, #tpu.memory_space<vmem>>, vector<16xf32>,
    tpu.vector_store %arg12[%swap3A], %scan3A_53#0 {strides = array<i32>} : memref<32xf32, #tpu.memory_space<vmem>>, vector<16xf32>,
    %swap3A_56 = arith.constant 16 : index
    %swap3A_57 = tpu.vector_load %arg12[%swap3A_56] {strides = array<i32>} : memref<32xf32, #tpu.memory_space<vmem>>, vector<16xf32>,
    tpu.vector_store %arg12[%swap3A_56], %scan3A_53#1 {strides = array<i32>} : memref<32xf32, #tpu.memory_space<vmem>>, vector<16xf32>,
    "tpu.region"() ({
      %run_scoped3A = tpu.sem_alloc : memref<!tpu.dma_semaphore, #tpu.memory_space<semaphore_mem>>
      %dma_start3A_60 = arith.constant 0 : i32
      %dma_start3A_61 = tpu.memref_slice %arg15[%arg1, %dma_start3A_60] : memref<16x32xf32, #tpu.memory_space<hbm>> -> memref<1x32xf32, #tpu.memory_space<hbm>>
      %dma_start3A_62 = tpu.memref_squeeze %dma_start3A_61 : memref<1x32xf32, #tpu.memory_space<hbm>> -> memref<32xf32, #tpu.memory_space<hbm>>
      %dma_start3A_63 = arith.constant 0 : i32
      %dma_start3A_64 = tpu.memref_slice %arg15[%arg1, %dma_start3A_63] : memref<16x32xf32, #tpu.memory_space<hbm>> -> memref<1x32xf32, #tpu.memory_space<hbm>>
      %dma_start3A_65 = tpu.memref_squeeze %dma_start3A_64 : memref<1x32xf32, #tpu.memory_space<hbm>> -> memref<32xf32, #tpu.memory_space<hbm>>
      tpu.enqueue_dma source(%arg12 : memref<32xf32, #tpu.memory_space<vmem>>) target(%dma_start3A_65 : memref<32xf32, #tpu.memory_space<hbm>>) target_semaphore(%run_scoped3A : memref<!tpu.dma_semaphore, #tpu.memory_space<semaphore_mem>>)
      %dma_wait3A_66 = arith.constant 0 : i32
      %dma_wait3A_67 = tpu.memref_slice %arg15[%arg1, %dma_wait3A_66] : memref<16x32xf32, #tpu.memory_space<hbm>> -> memref<1x32xf32, #tpu.memory_space<hbm>>
      %dma_wait3A_68 = tpu.memref_squeeze %dma_wait3A_67 : memref<1x32xf32, #tpu.memory_space<hbm>> -> memref<32xf32, #tpu.memory_space<hbm>>
      %dma_wait3A_69 = arith.constant 0 : i32
      %dma_wait3A_70 = tpu.memref_slice %arg15[%arg1, %dma_wait3A_69] : memref<16x32xf32, #tpu.memory_space<hbm>> -> memref<1x32xf32, #tpu.memory_space<hbm>>
      %dma_wait3A_71 = tpu.memref_squeeze %dma_wait3A_70 : memref<1x32xf32, #tpu.memory_space<hbm>> -> memref<32xf32, #tpu.memory_space<hbm>>
      tpu.wait_dma2 semaphore(%run_scoped3A : memref<!tpu.dma_semaphore, #tpu.memory_space<semaphore_mem>>) src(%arg12 : memref<32xf32, #tpu.memory_space<vmem>>) dst(%dma_wait3A_71 : memref<32xf32, #tpu.memory_space<hbm>>)
      tpu.yield
    }) : () -> ()
    %barrier3A = arith.constant 0 : index
    tpu.barrier barrier_id(%barrier3A)
    %eq3A = arith.constant 0 : i32
    %eq3A_58 = arith.cmpi eq, %arg1, %eq3A : i32
    %convert_element_type3A = arith.extui %eq3A_58 : i1 to i32
    %cond3A = arith.constant 0 : i32
    %cond3A_59 = arith.cmpi ne, %convert_element_type3A, %cond3A : i32
    scf.if %cond3A_59 {
      "tpu.region"() ({
        %run_scoped3A = tpu.sem_alloc : memref<!tpu.dma_semaphore, #tpu.memory_space<semaphore_mem>>
        tpu.enqueue_dma source(%arg15 : memref<16x32xf32, #tpu.memory_space<hbm>>) target(%arg13 : memref<16x32xf32, #tpu.memory_space<vmem>>) target_semaphore(%run_scoped3A : memref<!tpu.dma_semaphore, #tpu.memory_space<semaphore_mem>>)
        tpu.wait_dma2 semaphore(%run_scoped3A : memref<!tpu.dma_semaphore, #tpu.memory_space<semaphore_mem>>) src(%arg15 : memref<16x32xf32, #tpu.memory_space<hbm>>) dst(%arg13 : memref<16x32xf32, #tpu.memory_space<vmem>>)
        tpu.yield
      }) : () -> ()
      %broadcast_in_dim3A_60 = arith.constant 0.000000e+00 : f32
      %broadcast_in_dim3A_61 = vector.broadcast %broadcast_in_dim3A_60 : f32 to vector<16xf32>
      %broadcast_in_dim3A_62 = arith.constant 0.000000e+00 : f32
      %broadcast_in_dim3A_63 = vector.broadcast %broadcast_in_dim3A_62 : f32 to vector<16xf32>
      %scan3A_64 = arith.constant 0 : i32
      %scan3A_65 = arith.constant 16 : i32
      %scan3A_66 = arith.addi %scan3A_64, %scan3A_65 : i32
      %scan3A_67 = arith.constant 1 : i32
      %scan3A_68:2 = scf.for %scan3A_83 = %scan3A_64 to %scan3A_66 step %scan3A_67 iter_args(%scan3A_84 = %broadcast_in_dim3A_61, %scan3A_85 = %broadcast_in_dim3A_63) -> (vector<16xf32>, vector<16xf32>)  : i32 {
        %get3A_86 = arith.index_cast %scan3A_83 : i32 to index
        %get3A_87 = arith.constant 0 : index
        %get3A_88 = tpu.vector_load %arg13[%get3A_86, %get3A_87] {strides = array<i32>} : memref<16x32xf32, #tpu.memory_space<vmem>>, vector<16xf32>,
        %add3A_89 = arith.addf %scan3A_84, %get3A_88 : vector<16xf32>
        %get3A_90 = arith.index_cast %scan3A_83 : i32 to index
        %get3A_91 = arith.constant 16 : index
        %get3A_92 = tpu.vector_load %arg13[%get3A_90, %get3A_91] {strides = array<i32>} : memref<16x32xf32, #tpu.memory_space<vmem>>, vector<16xf32>,
        %add3A_93 = arith.addf %scan3A_85, %get3A_92 : vector<16xf32>
        scf.yield %add3A_89, %add3A_93 : vector<16xf32>, vector<16xf32>
      }
      %scan3A_69 = arith.constant 16 : i32
      %reduce_sum3A = arith.constant true
      %reduce_sum3A_70 = vector.broadcast %reduce_sum3A : i1 to vector<16xi1>
      %reduce_sum3A_71 = tpu.scan <sum>, %scan3A_68#0 masked %reduce_sum3A_70 : vector<16xf32>, vector<16xi1> -> vector<16xf32>
      %reduce_sum3A_72 = vector.extract %reduce_sum3A_71[15] : f32 from vector<16xf32>
      %broadcast_in_dim3A_73 = vector.broadcast %reduce_sum3A_72 : f32 to vector<16xf32>
      %reduce_sum3A_74 = arith.constant true
      %reduce_sum3A_75 = vector.broadcast %reduce_sum3A_74 : i1 to vector<16xi1>
      %reduce_sum3A_76 = tpu.scan <sum>, %scan3A_68#1 masked %reduce_sum3A_75 : vector<16xf32>, vector<16xi1> -> vector<16xf32>
      %reduce_sum3A_77 = vector.extract %reduce_sum3A_76[15] : f32 from vector<16xf32>
      %broadcast_in_dim3A_78 = vector.broadcast %reduce_sum3A_77 : f32 to vector<16xf32>
      %add3A = arith.constant 9.99999974E-5 : f32
      %add3A_79 = vector.broadcast %add3A : f32 to vector<16xf32>
      %add3A_80 = arith.addf %broadcast_in_dim3A_78, %add3A_79 : vector<16xf32>
      %div3A = arith.divf %broadcast_in_dim3A_73, %add3A_80 : vector<16xf32>
      %swap3A_81 = arith.constant 0 : index
      %swap3A_82 = tpu.vector_load %arg14[%swap3A_81] {strides = array<i32>} : memref<16xf32, #tpu.memory_space<vmem>>, vector<16xf32>,
      tpu.vector_store %arg14[%swap3A_81], %div3A {strides = array<i32>} : memref<16xf32, #tpu.memory_space<vmem>>, vector<16xf32>,
      "tpu.region"() ({
        %run_scoped3A = tpu.sem_alloc : memref<!tpu.dma_semaphore, #tpu.memory_space<semaphore_mem>>
        %dma_start3A_83 = arith.constant 0 : i32
        %dma_start3A_84 = tpu.memref_slice %arg14[%dma_start3A_83] : memref<16xf32, #tpu.memory_space<vmem>> -> memref<1xf32, #tpu.memory_space<vmem>>
        %dma_start3A_85 = arith.constant 0 : i32
        %dma_start3A_86 = tpu.memref_slice %arg14[%dma_start3A_85] : memref<16xf32, #tpu.memory_space<vmem>> -> memref<1xf32, #tpu.memory_space<vmem>>
        tpu.enqueue_dma source(%dma_start3A_86 : memref<1xf32, #tpu.memory_space<vmem>>) target(%arg6 : memref<1xf32, #tpu.memory_space<hbm>>) target_semaphore(%run_scoped3A : memref<!tpu.dma_semaphore, #tpu.memory_space<semaphore_mem>>)
        %dma_wait3A_87 = arith.constant 0 : i32
        %dma_wait3A_88 = tpu.memref_slice %arg14[%dma_wait3A_87] : memref<16xf32, #tpu.memory_space<vmem>> -> memref<1xf32, #tpu.memory_space<vmem>>
        %dma_wait3A_89 = arith.constant 0 : i32
        %dma_wait3A_90 = tpu.memref_slice %arg14[%dma_wait3A_89] : memref<16xf32, #tpu.memory_space<vmem>> -> memref<1xf32, #tpu.memory_space<vmem>>
        tpu.wait_dma2 semaphore(%run_scoped3A : memref<!tpu.dma_semaphore, #tpu.memory_space<semaphore_mem>>) src(%dma_wait3A_90 : memref<1xf32, #tpu.memory_space<vmem>>) dst(%arg6 : memref<1xf32, #tpu.memory_space<hbm>>)
        tpu.yield
      }) : () -> ()
    } else {
    }
    return
  }
}

</mosaic_0001>

<sc_bundles>
// kernel: kernel.3.cloned.1.call-start
scs
__scs_entry_jumppad:
0x0: {  	(pc) =	sbr.rel $0x88, $3  }
0x1: {  	(tag) =	ssettag $0x0;
	lr =	simm.s32 $0x1  }
0x2: {  	[smem:$0x3F9D] =	sst lr;
	_ =	strace $0xD0000000  }
0x3: {  	_ = 	snop  }
0x4: {  	_ = 	snop  }
0x5: {  	_ = 	snop  }
0x6: {  	_ = 	snop  }
0x7: {  	_ = 	snop  }
__scs_overlays_trampoline_lowered:
0x8: {  	[smem:$0x3FAC] =	sst s0  }
0x9: {  	[smem:$0x3FAD] =	sst s1  }
0xa: {  	[smem:$0x3FAE] =	sst s2  }
0xb: {  	[smem:$0x3FAF] =	sst s3  }
0xc: {  	[smem:$0x3FB0] =	sst s4  }
0xd: {  	[smem:$0x3FB1] =	sst s5  }
0xe: {  	[smem:$0x3FB2] =	sst s6  }
0xf: {  	[smem:$0x3FB3] =	sst s7  }
0x10: {  	[smem:$0x3FB4] =	sst s8  }
0x11: {  	[smem:$0x3FB5] =	sst s9;
	s0 =	simm.s32 @!p0 $0x0  }
0x12: {  	s1 =	sld [smem:$0x3F9B];
	s0 =	simm.s32 @p0 $0x1  }
0x13: {  	[smem:$0x3FB6] =	sst s0;
	s0 =	simm.s32 @!p1 $0x0  }
0x14: {  	s2 =	sld [smem:$0x3F9A];
	s0 =	simm.s32 @p1 $0x1  }
0x15: {  	[smem:$0x3FB7] =	sst s0;
	s0 =	simm.s32 @!p2 $0x0  }
0x16: {  	s3 =	sld [smem:$0x3FDB];
	s0 =	simm.s32 @p2 $0x1  }
0x17: {  	s4 =	simm.s32 $0x1BF5;
	[smem:$0x3FB9] =	sst s0  }
0x18: {  	s0 =	sld [smem:$0x3F9C];
	_ =	swait.ge [sflag:s4], $0x0  }
0x19: {  	s7 =	sld [smem:$0x3F9D]  }
0x1a: {  	s8 =	sadd.s32 $0xFFFFE003, lr  }
0x1b: {  	s9 =	sadd.s32 $0xFFFFFEF7, lr;
	s5 =	simm.s32 $0xFFFFFFFF;
	p2 =	slt.u32 s8, $0xFFFFF086  }
0x1c: {  	p1 =	slt.u32 s9, $0xF7A;
	s5 =	simm.s32 @!p2 $0x0  }
0x1d: {  	s5 =	simm.s32 @p1 $0x1;
	p0 =	seq.s32 s7, s2  }
0x1e: {  	s7 =	smul.u32 @!p0 $0xF7A, s2;
	p2 =	seq.s32 @!p0 s5, $0x0  }
0x1f: {  	s9 =	smul.u32 $0xF7A, s1;
	s8 =	simm.s32 @!p0 $0x1BF5;
	p2 =	por !p2, p0  }
0x20: {  	[sflag:s8] =	ssyncset.s32 @!p0 $0xFFFFF086;
	s6 =	sadd.s32 @!p0 s3, s7;
	s7 =	simm.s32 @!p0 $0x108  }
0x21: {  	s3 =	sadd.s32 s3, s9;
	s6 =	sadd.s32 @!p0 $0x88, s6;
	s7 =	simm.s32 @p2 $0x1082  }
0x22: {  	[simem:s7], [sflag:s8] =	dma.local @!p0 [hbm:s6], $0xF7A  }
0x23: {  	s9 =	sor.u32 $0xD0000000, s2;
	s6 =	simm.s32 $0x108;
	_ =	swait.ge @!p0 [sflag:s8], $0x0  }
0x24: {  	s3 =	sadd.s32 $0x88, s3;
	s6 =	simm.s32 @!p1 $0x1082;
	[sflag:s4] =	ssyncset.s32 $0xFFFFF086  }
0x25: {  	[simem:s6], [sflag:s4] =	dma.local [hbm:s3], $0xF7A  }
0x26: {  	[smem:$0x3F9D] =	sst s1;
	(tag) =	ssettag s2;
	_ =	strace s9  }
0x27: {  	s1 =	sld [smem:$0x3FAD]  }
0x28: {  	s2 =	sld [smem:$0x3FAE]  }
0x29: {  	s4 =	sld [smem:$0x3FB0]  }
0x2a: {  	p0 =	seq.s32 s5, $0x0;
	s5 =	sld [smem:$0x3FB1]  }
0x2b: {  	s6 =	sld [smem:$0x3FB2]  }
0x2c: {  	s7 =	sld [smem:$0x3FB3]  }
0x2d: {  	s3 =	simm.s32 $0x108;
	s8 =	sld [smem:$0x3FB4]  }
0x2e: {  	s3 =	simm.s32 @!p0 $0x1082;
	s9 =	sld [smem:$0x3FB5]  }
0x2f: {  	lr =	sadd.s32 s0, s3;
	s0 =	sld [smem:$0x3FAC]  }
0x30: {  	s3 =	sld [smem:$0x3FAF]  }
0x31: {  	[smem:$0x3FB8] =	sst s10  }
0x32: {  	s10 =	sld [smem:$0x3FB6];
	_ =	sdelay $0x3  }
0x33: {  	p0 =	seq.s32 s10, $0x1;
	s10 =	sld [smem:$0x3FB8];
	_ =	sdelay $0x3  }
0x34: {  	[smem:$0x3FB8] =	sst s10  }
0x35: {  	s10 =	sld [smem:$0x3FB7];
	_ =	sdelay $0x3  }
0x36: {  	p1 =	seq.s32 s10, $0x1;
	s10 =	sld [smem:$0x3FB8];
	_ =	sdelay $0x3  }
0x37: {  	[smem:$0x3FB8] =	sst s10  }
0x38: {  	s10 =	sld [smem:$0x3FB9]  }
0x39: {  	_ = 	snop;
	(pc) =	sbr.ind lr, $3  }
0x3a: {  	_ = 	snop  }
0x3b: {  	_ = 	snop  }
0x3c: {  	p2 =	seq.s32 s10, $0x1;
	s10 =	sld [smem:$0x3FB8]  }
0x3d: {  	_ =	shalt  }
0x3e: {  	_ =	shalt  }
0x3f: {  	_ =	shalt  }
0x40: {  	_ =	shalt  }
0x41: {  	_ =	shalt  }
0x42: {  	_ =	shalt  }
0x43: {  	_ =	shalt  }
0x44: {  	_ =	shalt  }
0x45: {  	_ =	shalt  }
0x46: {  	_ =	shalt  }
0x47: {  	_ =	shalt  }
0x48: {  	_ =	shalt  }
0x49: {  	_ =	shalt  }
0x4a: {  	_ =	shalt  }
0x4b: {  	_ =	shalt  }
0x4c: {  	_ =	shalt  }
0x4d: {  	_ =	shalt  }
0x4e: {  	_ =	shalt  }
0x4f: {  	_ =	shalt  }
0x50: {  	_ =	shalt  }
0x51: {  	_ =	shalt  }
0x52: {  	_ =	shalt  }
0x53: {  	_ =	shalt  }
0x54: {  	_ =	shalt  }
0x55: {  	_ =	shalt  }
0x56: {  	_ =	shalt  }
0x57: {  	_ =	shalt  }
0x58: {  	_ =	shalt  }
0x59: {  	_ =	shalt  }
0x5a: {  	_ =	shalt  }
0x5b: {  	_ =	shalt  }
0x5c: {  	_ =	shalt  }
0x5d: {  	_ =	shalt  }
0x5e: {  	_ =	shalt  }
0x5f: {  	_ =	shalt  }
0x60: {  	_ =	shalt  }
0x61: {  	_ =	shalt  }
0x62: {  	_ =	shalt  }
0x63: {  	_ =	shalt  }
0x64: {  	_ =	shalt  }
0x65: {  	_ =	shalt  }
0x66: {  	_ =	shalt  }
0x67: {  	_ =	shalt  }
0x68: {  	_ =	shalt  }
0x69: {  	_ =	shalt  }
0x6a: {  	_ =	shalt  }
0x6b: {  	_ =	shalt  }
0x6c: {  	_ =	shalt  }
0x6d: {  	_ =	shalt  }
0x6e: {  	_ =	shalt  }
0x6f: {  	_ =	shalt  }
0x70: {  	_ =	shalt  }
0x71: {  	_ =	shalt  }
0x72: {  	_ =	shalt  }
0x73: {  	_ =	shalt  }
0x74: {  	_ =	shalt  }
0x75: {  	_ =	shalt  }
0x76: {  	_ =	shalt  }
0x77: {  	_ =	shalt  }
0x78: {  	_ =	shalt  }
0x79: {  	_ =	shalt  }
0x7a: {  	_ =	shalt  }
0x7b: {  	_ =	shalt  }
0x7c: {  	_ =	shalt  }
0x7d: {  	_ =	shalt  }
0x7e: {  	_ =	shalt  }
0x7f: {  	_ =	shalt  }
0x80: {  	_ =	shalt  }
0x81: {  	_ =	shalt  }
0x82: {  	_ =	shalt  }
0x83: {  	_ =	shalt  }
0x84: {  	_ =	shalt  }
0x85: {  	_ =	shalt  }
0x86: {  	_ =	shalt  }
0x87: {  	_ =	shalt  }
.Lfunc_end0:
.L_simem_size_0:
called_computation_lowered:
.L_overlay_start_0:
0x88: {  	s0 =	sld [smem:$0x3FD9]  }
0x89: {  	s1 =	sld [smem:$0x3FFE];
	_ =	sdelay $0x3  }
0x8a: {  	s0 =	sadd.s32 s1, s0  }
0x8b: {  	[smem:$0x3FC4] =	sst s0  }
0x8c: {  	_ = 	snop  }
0x8d: {  	s17 =	sld [smem:$0x3FC9]  }
0x8e: {  	s2 =	sld [smem:$0x3FC8]  }
0x8f: {  	s3 =	sld [smem:$0x3FC7]  }
0x90: {  	s4 =	sld [smem:$0x3FC6]  }
0x91: {  	s5 =	sld [smem:$0x3FD0];
	(tm) =	ssettm $0x1  }
0x92: {  	s6 =	sld [smem:$0x3FFB];
	_ =	sdelay $0x3  }
0x93: {  	_ =	strace s6  }
0x94: {  	s6 =	sld [smem:$0x3FFC];
	_ =	sdelay $0x3  }
0x95: {  	_ =	strace s6  }
0x96: {  	s6 =	sld [smem:$0x3FFD];
	_ =	sdelay $0x3  }
0x97: {  	_ =	strace s6  }
0x98: {  	_ =	strace $0x8FFFFFFF  }
0x99: {  	s18 =	sld [smem:$0x3FDB];
	_ =	sdelay $0x1  }
0x9a: {  	s7 =	simm.s32 $_scs_section_size  }
0x9b: {  	s8 =	simm.s32 $_size__tile_overlayer_lowered;
	s9 =	simm.s32 $_tile_overlayer_lowered  }
0x9c: {  	s21 =	simm.s32 $0x1BFF;
	s20 =	sshll.u32 s9, $0x1;
	s6 =	sadd.s32 s7, s18  }
0x9d: {  	s10 =	simm.s32 $0x0;
	s19 =	sshll.u32 s8, $0x1;
	s8 =	sadd.s32 s20, s6  }
0x9e: {  	[timem:s10], [sflag:s21] =	dma.local [hbm:s8], s19  }
0x9f: {  	_ =	swait.ge [sflag:s21], s19  }
0xa0: {  	s7 =	ssub.s32 $0x0, s19;
	[sflag:s21] =	ssyncset.done $0x0  }
0xa1: {  	[sflag:s21] =	ssyncadd.s32 s7;
	_ =	sdelay $0x1  }
0xa2: {  	s22 =	simm.s32 $0x1B8B  }
0xa3: {  	_ =	swait.ge [sflag:s22], $0x1  }
0xa4: {  	[sflag:s22] =	ssyncset.done $0x0  }
0xa5: {  	s23 =	simm.s32 $0x1B8E;
	[sflag:s22] =	ssyncadd.s32 $0xFFFFFFFF  }
0xa6: {  	s24 =	simm.s32 $execute0_lowered;
	[smem:$0x3FD2] =	sst s23  }
0xa7: {  	s7 =	sshll.u32 s24, $0x1;
	_ =	strace $0x80000046;
	[dreg:$0x1] =	wrdreg $0xFFFFFFFF  }
0xa8: {  	s25 =	simm.s32 $_size_execute0_lowered;
	s6 =	sadd.s32 s6, s7;
	[dreg:$0x0] =	wrdreg $0x0  }
0xa9: {  	s7 =	sshll.u32 s25, $0x1;
	[dreg:$0x2] =	wrdreg s6  }
0xaa: {  	[dreg:$0x3] =	wrdreg s7  }
0xab: {  	[dreg:$0x4] =	wrdreg $0xC0  }
0xac: {  	_ =	task [dreg:s10], $0x5FFFF  }
0xad: {  	[dreg:$0x1] =	wrdreg $0xFFFFFFFF  }
0xae: {  	[dreg:$0x0] =	wrdreg $0x60  }
0xaf: {  	[dreg:$0x2] =	wrdreg s17  }
0xb0: {  	[dreg:$0x3] =	wrdreg s3  }
0xb1: {  	[dreg:$0x4] =	wrdreg s2  }
0xb2: {  	[dreg:$0x5] =	wrdreg s4  }
0xb3: {  	s0 =	sadd.s32 $0x400, s0;
	[dreg:$0x6] =	wrdreg s5  }
0xb4: {  	[dreg:$0x7] =	wrdreg s0  }
0xb5: {  	[dreg:$0x8] =	wrdreg $0x9  }
0xb6: {  	_ =	task.clear_ibuf [dreg:s10], $0x9FFFF;
	_ =	strace $0x90000046  }
0xb7: {  	s26 =	simm.s32 $0x9;
	_ =	strace $0x80000048  }
0xb8: {  	_ =	swait.ge [sflag:s26], $0x1  }
0xb9: {  	[sflag:s26] =	ssyncadd.s32 $0xFFFFFFFF  }
0xba: {  	_ =	strace $0x90000048  }
0xbb: {  	_ =	sfence  }
0xbc: {  	s28 =	sld [smem:$0x0];
	_ =	sdelay $0x1  }
0xbd: {  	s29 =	srdreg.scid  }
0xbe: {  	s30 =	sshll.u32 s29, $0xD;
	s31 =	sshrl.u32 s29, $0x2  }
0xbf: {  	s1 =	sand.u32 $0x1, s29;
	s2 =	sand.u32 $0x4000, s30;
	s0 =	sadd.s32 s31, s28  }
0xc0: {  	s1 =	sor.u32 s2, s1;
	s0 =	sshll.u32 s0, $0x11  }
0xc1: {  	s0 =	sor.u32 s0, s1  }
0xc2: {  	s0 =	sadd.s32 $0x8F2B, s0  }
0xc3: {  	[sflag:s0] =	ssyncadd.remote.s32 $0x1  }
0xc4: {  	_ =	sfence.sel $0xFFFF  }
0xc5: {  	[dreg:$0x0] =	wrdreg $0xFFFFFFFF;
	(pc) =	sbr.abs _section_cstart, $3  }
0xc6: {  	[dreg:$0x1] =	wrdreg $0xFFFFFFFF  }
0xc7: {  	_ =	task.clear_ibuf [dreg:s10], $0x2FFFF;
	_ =	strace $0x9FFFFFFF  }
0xc8: {  	(tm) =	ssettm $0x7FFFFFFF  }
0xc9: {  	_ =	shalt  }
tec
execute0_lowered:
.L_overlay_start_1:
0x0: {  	(tag) =	ssettag $0x1  }
0x1: {  	s5 =	rddreg [dreg:$0x0]  }
0x2: {  	s6 =	rddreg [dreg:$0x1]  }
0x3: {  	s7 =	rddreg [dreg:$0x2]  }
0x4: {  	s8 =	rddreg [dreg:$0x3]  }
0x5: {  	s1 =	rddreg [dreg:$0x4]  }
0x6: {  	s2 =	rddreg [dreg:$0x5]  }
0x7: {  	s0 =	rddreg [dreg:$0x6];
	s9 =	simm.s32 $0x0;
	s3 =	stileid.u32  }
0x8: {  	[smem:$0x7FF] =	sst s9;
	s4 =	sshll.u32 s3, $0x4  }
0x9: {  	s28 =	simm.s32 $0x3;
	_ =	strace $0x80000047;
	s6 =	sadd.s32 s6, s4  }
0xa: {  	[tilespmem:s9], [sflag:$0x3] =	stream.linear.gather [hbm4b:s6+s9], $0x80, $0x38;
	[tilespmem:$0x3280] =	vst v63  }
0xb: {  	_ =	swait.ge [sflag:s28], $0x80  }
0xc: {  	s10 =	sshll.u32 s3, $0x9;
	[sflag:s28] =	ssyncset.done $0x0  }
0xd: {  	s29 =	simm.s32 $0x980;
	s7 =	sadd.s32 s7, s10;
	[sflag:s28] =	ssyncadd.s32 $0xFFFFFF80  }
0xe: {  	[tilespmem:s29], [sflag:$0x2] =	stream.linear.gather [hbm4b:s7+s9], $0x1000, $0x38;
	[tilespmem:$0x3280] =	vst v63  }
0xf: {  	s31 =	simm.s32 $0x1980;
	s30 =	sadd.s32 s8, s10  }
0x10: {  	[tilespmem:s31], [sflag:$0x2] =	stream.linear.gather [hbm4b:s30+s9], $0x1000, $0x38;
	[tilespmem:$0x3280] =	vst v63  }
0x11: {  	v0 =	vld [tilespmem:$0x0]  }
0x12: {  	v1 =	vld [tilespmem:$0x10];
	_ =	sdelay $0x2  }
0x13: {  	s6 =	smul.u32 $0x88000, s3;
	_ =	sdelay $0x1  }
0x14: {  	s8 =	simm.s32 $0x0;
	s7 =	simm.s32 $0x40;
	v3 =	vadd.s32 s6, v0;
	v2 =	vadd.s32 s6, v1  }
.LBB2_1:
0x15: {  	p0 =	sne.s32 s7, $0x840  }
0x16: {  	[tilespmem:s8+$0x80] =	vst v3;
	s6 =	sadd.s32 $0x4000, s6;
	s9 =	smov.u32 s7;
	s7 =	sadd.s32 $0x40, s7  }
.Ltmp0:
0x17: {  	[tilespmem:s8+$0x2A0] =	vst v2;
	(pc) =	sbr.rel @p0 .LBB2_1-.Ltmp0, $2  }
0x18: {  	_ =	sdelay $0x2  }
0x19: {  	v3 =	vadd.s32 s6, v0;
	s8 =	sshra.s32 s9, $0x2;
	v2 =	vadd.s32 s6, v1  }
0x1a: {  	[tilespmem:s8+$0x80] =	vst v3;
	s6 =	simm.s32 $0x440;
	s7 =	simm.s32 $0x80  }
0x1b: {  	[tilespmem:s8+$0x2A0] =	vst v2;
	s23 =	simm.s32 $0x500;
	s24 =	simm.s32 $0x2;
	s25 =	simm.s32 $0x0  }
0x1c: {  	[tilespmem:s23], [sflag:$0x1] =	stream.indirect.gather [hbm4b:s5+s6], $0x1, s7, s6, $0xb8;
	[tilespmem:$0x3280] =	vst v63  }
0x1d: {  	v0 =	vmov s25;
	_ =	swait.ge [sflag:s24], $0x1000  }
0x1e: {  	v1 =	vlaneseq.u32;
	v2 =	vand.u32 $0x7F, v0;
	[sflag:s24] =	ssyncset.done $0x0  }
0x1f: {  	v0 =	vmul.u32 $0x80, v1;
	v2 =	vbroadcast v2, $0x0;
	[sflag:s24] =	ssyncadd.s32 $0xFFFFF000  }
0x20: {  	_ =	swait.ge [sflag:s24], $0x1000  }
0x21: {  	v3 =	vor.u32 v0, v2;
	[sflag:s24] =	ssyncset.done $0x0  }
0x22: {  	s26 =	simm.s32 $0x1;
	[sflag:s24] =	ssyncadd.s32 $0xFFFFF000  }
0x23: {  	s28 =	simm.s32 $0x1;
	v1 =	vor.u32 $0x800, v0;
	_ =	swait.ge [sflag:s26], $0x440  }
0x24: {  	v4 =	vmov s28;
	v2 =	vor.u32 v1, v2;
	[sflag:s26] =	ssyncset.done $0x0  }
0x25: {  	s6 =	simm.s32 $0x1980;
	v4 =	vand.u32 $0x7F, v4;
	[sflag:s26] =	ssyncadd.s32 $0xFFFFFBC0  }
0x26: {  	s29 =	simm.s32 $0x720;
	v4 =	vbroadcast v4, $0x0;
	v5 =	vld.idx.msk [tilespmem:v3+s6+$0x0], $0xffff  }
0x27: {  	s5 =	simm.s32 $0x980;
	v6 =	vld [tilespmem:s29+$0xFFFFFDE0]  }
0x28: {  	v7 =	vor.u32 v0, v4;
	v3 =	vld.idx.msk [tilespmem:v3+s5+$0x0], $0xffff  }
0x29: {  	v8 =	vld.idx.msk [tilespmem:v2+s6+$0x0], $0xffff  }
0x2a: {  	s30 =	simm.s32 $0x2;
	v9 =	vld [tilespmem:s29+$0x0]  }
0x2b: {  	v10 =	vmov s30  }
0x2c: {  	v11 =	vor.u32 v1, v4;
	v4 =	vld.idx.msk [tilespmem:v2+s5+$0x0], $0xffff;
	v2 =	vand.u32 $0x7F, v10  }
0x2d: {  	s7 =	simm.s32 $0x730;
	v12 =	vld.idx.msk [tilespmem:v7+s6+$0x0], $0xffff;
	v10 =	vbroadcast v2, $0x0;
	v5 =	vsub.f32 v6, v5  }
0x2e: {  	v14 =	vld [tilespmem:s7+$0xFFFFFDE0]  }
0x2f: {  	v2 =	vld.idx.msk [tilespmem:v7+s5+$0x0], $0xffff;
	v8 =	vsub.f32 v9, v8;
	v6 =	vor.u32 v0, v10;
	v13 =	vmul.f32 v5, v3  }
0x30: {  	v15 =	vimm.f32 $0.0e+00;
	s31 =	simm.s32 $0x3;
	v7 =	vld [tilespmem:s7+$0x0]  }
0x31: {  	v16 =	vmov s31;
	v5 =	vld.idx.msk [tilespmem:v11+s6+$0x0], $0xffff;
	v17 =	vmul.f32 v8, v4;
	v9 =	vand.u32 $0x7FFFFFFF, v13  }
0x32: {  	v8 =	vor.u32 v1, v10;
	v10 =	vadd.f32 v3, v15;
	v9 =	vadd.f32 v9, v15  }
0x33: {  	s8 =	simm.s32 $0x4;
	v3 =	vld.idx.msk [tilespmem:v11+s5+$0x0], $0xffff;
	v11 =	vsub.f32 v14, v12;
	v13 =	vand.u32 $0x7F, v16;
	v12 =	vand.u32 $0x7FFFFFFF, v17  }
.LBB2_3:
0x34: {  	p0 =	sne.s32 s8, $0x21;
	v13 =	vbroadcast v13, $0x0;
	v14 =	vld.idx.msk [tilespmem:v6+s6+$0x0], $0xffff;
	s7 =	sadd.s32 $0x10, s7;
	v9 =	vadd.f32 v12, v9;
	v10 =	vadd.f32 v4, v10  }
0x35: {  	v15 =	vmov v2;
	v12 =	vld [tilespmem:s7+$0xFFFFFDE0]  }
.Ltmp1:
0x36: {  	v19 =	vmul.f32 v11, v15;
	v2 =	vld.idx.msk [tilespmem:v6+s5+$0x0], $0xffff;
	v6 =	vor.u32 v0, v13;
	v11 =	vsub.f32 v7, v5;
	(pc) =	sbr.rel @p0 .LBB2_3-.Ltmp1, $4  }
0x37: {  	v5 =	vld.idx.msk [tilespmem:v8+s6+$0x0], $0xffff  }
0x38: {  	v16 =	vmov s8;
	v17 =	vand.u32 $0x7FFFFFFF, v19;
	v4 =	vmovc v3;
	v7 =	vld [tilespmem:s7+$0x0];
	v18 =	vmul.f32 v11, v3  }
0x39: {  	v10 =	vadd.f32 v15, v10;
	v9 =	vadd.f32 v17, v9;
	v3 =	vld.idx.msk [tilespmem:v8+s5+$0x0], $0xffff;
	v8 =	vor.u32 v1, v13  }
0x3a: {  	s8 =	sadd.s32 $0x1, s8;
	v13 =	vand.u32 $0x7F, v16;
	v11 =	vsub.f32 v12, v14;
	v12 =	vand.u32 $0x7FFFFFFF, v18  }
0x3b: {  	_ =	sdelay $0x3  }
0x3c: {  	v14 =	vld.idx.msk [tilespmem:v6+s6+$0x0], $0xffff  }
0x3d: {  	v13 =	vbroadcast v13, $0x0;
	v47 =	vld.idx.msk [tilespmem:v6+s5+$0x0], $0xffff  }
0x3e: {  	v16 =	vld.idx.msk [tilespmem:v8+s6+$0x0], $0xffff  }
0x3f: {  	s7 =	sadd.s32 $0x10, s7;
	v48 =	vld.idx.msk [tilespmem:v8+s5+$0x0], $0xffff;
	v0 =	vor.u32 v0, v13  }
0x40: {  	v15 =	vld [tilespmem:s7+$0xFFFFFDE0]  }
0x41: {  	v17 =	vld [tilespmem:s7+$0x0];
	s7 =	sadd.s32 $0x10, s7;
	v1 =	vor.u32 v1, v13  }
0x42: {  	v4 =	vadd.f32 v4, v10;
	v50 =	vld [tilespmem:s7+$0xFFFFFDE0]  }
0x43: {  	v11 =	vmul.f32 v11, v2;
	v5 =	vsub.f32 v7, v5;
	v55 =	vld [tilespmem:s7+$0x0]  }
0x44: {  	v9 =	vadd.f32 v12, v9;
	v54 =	vadd.f32 v2, v4;
	v49 =	vld.idx.msk [tilespmem:v0+s6+$0x0], $0xffff  }
0x45: {  	v51 =	vand.u32 $0x7FFFFFFF, v11;
	v5 =	vmul.f32 v5, v3;
	v52 =	vsub.f32 v15, v14;
	v0 =	vld.idx.msk [tilespmem:v0+s5+$0x0], $0xffff  }
0x46: {  	v9 =	vadd.f32 v51, v9;
	v2 =	vadd.f32 v3, v54;
	v53 =	vld.idx.msk [tilespmem:v1+s6+$0x0], $0xffff  }
0x47: {  	v5 =	vand.u32 $0x7FFFFFFF, v5;
	v57 =	vsub.f32 v17, v16;
	v56 =	vmul.f32 v52, v47  }
0x48: {  	v2 =	vadd.f32 v47, v2;
	v5 =	vadd.f32 v5, v9;
	v1 =	vld.idx.msk [tilespmem:v1+s5+$0x0], $0xffff  }
0x49: {  	v59 =	vmul.f32 v57, v48;
	v58 =	vand.u32 $0x7FFFFFFF, v56;
	v7 =	vsub.f32 v50, v49  }
0x4a: {  	v2 =	vadd.f32 v48, v2;
	v3 =	vadd.f32 v58, v5  }
0x4b: {  	v60 =	vand.u32 $0x7FFFFFFF, v59;
	v4 =	vsub.f32 v55, v53;
	v61 =	vmul.f32 v7, v0  }
0x4c: {  	v3 =	vadd.f32 v60, v3  }
0x4d: {  	v4 =	vmul.f32 v4, v1;
	v0 =	vadd.f32 v0, v2;
	v62 =	vand.u32 $0x7FFFFFFF, v61  }
0x4e: {  	v3 =	vadd.f32 v62, v3  }
0x4f: {  	v63 =	vand.u32 $0x7FFFFFFF, v4;
	v0 =	vadd.f32 v1, v0  }
0x50: {  	v2 =	vadd.f32 v63, v3  }
0x51: {  	s30 =	sadd.s32 s4, s2;
	[tilespmem:$0x2990] =	vst v0  }
0x52: {  	s4 =	simm.s32 $0x0;
	s31 =	simm.s32 $0x2980;
	s5 =	simm.s32 $0x3;
	[tilespmem:$0x2980] =	vst v2  }
0x53: {  	[hbm4b:s30+s4] =	stream.linear.scatter [tilespmem:s31], [sflag:$0x3], $0x80, $0x38;
	[tilespmem:$0x3280] =	vst v63  }
0x54: {  	_ =	swait.ge [sflag:s5], $0x80  }
0x55: {  	[sflag:s5] =	ssyncset.done $0x0  }
0x56: {  	[sflag:s5] =	ssyncadd.s32 $0xFFFFFF80  }
0x57: {  	p0 =	sne.s32 s3, $0x0;
	[bflag:$0x0] =	sbarrier.arrive $0xFFFF  }
0x58: {  	_ =	sfence.sel @p0 $0x180000  }
0x59: {  	[bflag:$0x0] =	sbarrier.arrive @p0 $0xFFFF  }
0x5a: {  	_ =	strace @p0 $0x90000047  }
0x5b: {  	[bflag:$0x2] =	sbarrier.arrive @p0 $0xFFFF  }
0x5c: {  	_ =	shalt @p0  }
.LBB2_5:
0x5d: {  	s3 =	simm.s32 $0x2A00  }
0x5e: {  	[tilespmem:s3], [sflag:$0x3] =	stream.linear.gather [hbm4b:s2+s4], $0x800, $0x38;
	[tilespmem:$0x3280] =	vst v63  }
0x5f: {  	_ =	swait.ge [sflag:s5], $0x800  }
0x60: {  	[sflag:s5] =	ssyncset.done $0x0  }
0x61: {  	[sflag:s5] =	ssyncadd.s32 $0xFFFFF800  }
0x62: {  	v0 =	vld [tilespmem:$0x2A00]  }
0x63: {  	v1 =	vld [tilespmem:$0x2A10]  }
0x64: {  	v2 =	vld [tilespmem:$0x2A80]  }
0x65: {  	v3 =	vld [tilespmem:$0x2A90]  }
0x66: {  	v4 =	vld [tilespmem:$0x2B00]  }
0x67: {  	v5 =	vld [tilespmem:$0x2B10];
	v0 =	vadd.f32 $0.0e+00, v0  }
0x68: {  	v6 =	vld [tilespmem:$0x2B80];
	v1 =	vadd.f32 $0.0e+00, v1  }
0x69: {  	v39 =	vld [tilespmem:$0x2B90];
	v0 =	vadd.f32 v2, v0  }
0x6a: {  	v40 =	vld [tilespmem:$0x2C00];
	v1 =	vadd.f32 v3, v1  }
0x6b: {  	v41 =	vld [tilespmem:$0x2C10];
	v0 =	vadd.f32 v4, v0  }
0x6c: {  	v42 =	vld [tilespmem:$0x2C80];
	v1 =	vadd.f32 v5, v1  }
0x6d: {  	v43 =	vld [tilespmem:$0x2C90];
	v0 =	vadd.f32 v6, v0  }
0x6e: {  	v44 =	vld [tilespmem:$0x2D00];
	v1 =	vadd.f32 v39, v1  }
0x6f: {  	v45 =	vld [tilespmem:$0x2D10];
	v0 =	vadd.f32 v40, v0  }
0x70: {  	v46 =	vld [tilespmem:$0x2D80];
	v1 =	vadd.f32 v41, v1  }
0x71: {  	v47 =	vld [tilespmem:$0x2D90];
	v0 =	vadd.f32 v42, v0  }
0x72: {  	v48 =	vld [tilespmem:$0x2E00];
	v1 =	vadd.f32 v43, v1  }
0x73: {  	v49 =	vld [tilespmem:$0x2E10];
	v0 =	vadd.f32 v44, v0  }
0x74: {  	v50 =	vld [tilespmem:$0x2E80];
	v1 =	vadd.f32 v45, v1  }
0x75: {  	v51 =	vld [tilespmem:$0x2E90];
	v0 =	vadd.f32 v46, v0  }
0x76: {  	v52 =	vld [tilespmem:$0x2F00];
	v1 =	vadd.f32 v47, v1  }
0x77: {  	v53 =	vld [tilespmem:$0x2F10];
	v0 =	vadd.f32 v48, v0  }
0x78: {  	v54 =	vld [tilespmem:$0x2F80];
	v1 =	vadd.f32 v49, v1  }
0x79: {  	v55 =	vld [tilespmem:$0x2F90];
	v0 =	vadd.f32 v50, v0  }
0x7a: {  	v56 =	vld [tilespmem:$0x3000];
	v1 =	vadd.f32 v51, v1  }
0x7b: {  	v57 =	vld [tilespmem:$0x3010];
	v0 =	vadd.f32 v52, v0  }
0x7c: {  	v58 =	vld [tilespmem:$0x3080];
	v1 =	vadd.f32 v53, v1  }
0x7d: {  	v59 =	vld [tilespmem:$0x3090];
	v0 =	vadd.f32 v54, v0  }
0x7e: {  	v60 =	vld [tilespmem:$0x3100];
	v1 =	vadd.f32 v55, v1  }
0x7f: {  	v61 =	vld [tilespmem:$0x3110];
	v0 =	vadd.f32 v56, v0  }
0x80: {  	v62 =	vld [tilespmem:$0x3180];
	v1 =	vadd.f32 v57, v1  }
0x81: {  	v63 =	vld [tilespmem:$0x3190];
	v0 =	vadd.f32 v58, v0  }
0x82: {  	v1 =	vadd.f32 v59, v1  }
0x83: {  	v0 =	vadd.f32 v60, v0  }
0x84: {  	v1 =	vadd.f32 v61, v1  }
0x85: {  	v0 =	vadd.f32 v62, v0  }
0x86: {  	v1 =	vadd.f32 v63, v1  }
0x87: {  	(xrf2) =	vadd.scan.msk.f32 $0xffff, v0  }
0x88: {  	(xrf2) =	vadd.scan.msk.f32 $0xffff, v1;
	_ =	sdelay $0x8  }
0x89: {  	v0, _, _ =	vpop (xrf2)  }
0x8a: {  	v1, _, _ =	vpop (xrf2)  }
0x8b: {  	v1 =	vadd.f32 $9.999999740e-05, v1;
	_ =	sdelay $0x1  }
0x8c: {  	v1 =	vbroadcast v1, $0xF;
	_ =	sdelay $0x1  }
0x8d: {  	(erf) = vrcp.f32 v1;
	_ =	sdelay $0x7  }
0x8e: {  	v0 =	vbroadcast v0, $0xF  }
0x8f: {  	v1 =	vpop (erf)  }
0x90: {  	v0 =	vmul.f32 v1, v0;
	_ =	sdelay $0x1  }
0x91: {  	s31 =	simm.s32 $0x3200;
	[tilespmem:$0x3200] =	vst v0  }
0x92: {  	[hbm4b:s1+s4] =	stream.linear.scatter [tilespmem:s31], [sflag:$0x3], $0x1, $0x38;
	[tilespmem:$0x3280] =	vst v63  }
0x93: {  	_ =	swait.ge [sflag:s5], $0x1  }
0x94: {  	[sflag:s5] =	ssyncset.done $0x0  }
0x95: {  	[sflag:s5] =	ssyncadd.s32 $0xFFFFFFFF  }
0x96: {  	_ =	sfence.sel $0x180000  }
0x97: {  	[bflag:$0x0] =	sbarrier.arrive $0xFFFF  }
0x98: {  	_ =	strace $0x90000047  }
0x99: {  	s0 =	sadd.s32 $0x100000, s0;
	[bflag:$0x2] =	sbarrier.arrive $0xFFFF  }
0x9a: {  	[sflag:s0] =	ssyncadd.tile.s32 $0x1;
	_ =	shalt  }
.Lfunc_end2:
_tile_overlayer_lowered:
.L_overlay_start_2:
0x9b: {  	(tag) =	ssettag $0x2  }
0x9c: {  	s0 =	rddreg [dreg:$0x0];
	s2 =	stileid.u32  }
0x9d: {  	s1 =	rddreg [dreg:$0x1];
	p0 =	sne.s32 s2, $0x0  }
0x9e: {  	s3 =	rddreg [dreg:$0x2];
	[bflag:$0x3] =	sbarrier.arrive $0xFFFF;
	s2 =	simm.s32 @!p0 $0x1C03  }
0x9f: {  	[timem:s3], [sflag:s2] =	dma.local @!p0 [hbm:s0], s1  }
0xa0: {  	s0 =	simm.s32 @!p0 $0x3  }
0xa1: {  	_ =	swait.ge @!p0 [sflag:s0], s1  }
0xa2: {  	s1 =	ssub.s32 @!p0 $0x0, s1;
	[sflag:s0] =	ssyncset.done @!p0 $0x0  }
0xa3: {  	[sflag:s0] =	ssyncadd.s32 @!p0 s1  }
0xa4: {  	[bflag:$0x3] =	sbarrier.arrive $0xFFFF  }
0xa5: {  	_ =	shalt  }

</sc_bundles>
